<compile_context>
chip_gen: v7x
topology: tpu7x:2x2x1
jax: 0.10.2.dev20260603
libtpu: 0.0.44.dev20260713+nightly
codegen_flags: <defaults>
</compile_context>

<pallas_src>
import functools

import jax
import jax.numpy as jnp
from jax import lax
from jax.experimental import pallas as pl
from jax.experimental.pallas import tpu as pltpu
from jax.experimental.pallas import tpu_sc as plsc

D_MODEL = 1024
B, T = 4, 2048
NW = 32
T_PER_W = T // NW
T_PER_BLK = 2
NBLK = T_PER_W // T_PER_BLK
ROWS_PER_T = (D_MODEL // 128) * B
BLK_ROWS = T_PER_BLK * ROWS_PER_T
OUT_ROWS = (T + 1) * ROWS_PER_T
IDS_PAD = (T + 1) * B + 12


def _body(ids_hbm, out_hbm, ids_v, tail_v, buf0, buf1, sem0, sem1):
    nc = plsc.get_sparse_core_info().num_cores
    wid = lax.axis_index("s") * nc + lax.axis_index("c")

    pltpu.sync_copy(ids_hbm.at[pl.ds(wid * T_PER_W * B, T_PER_W * B)],
                    ids_v.at[pl.ds(0, T_PER_W * B)])
    pltpu.sync_copy(ids_hbm.at[pl.ds(T * B, 16)], tail_v)

    zeros16 = jnp.zeros((16,), jnp.float32)
    ones16 = jnp.ones((16,), jnp.float32)
    iota16 = lax.iota(jnp.int32, 16)
    t_l = jax.lax.shift_right_logical(iota16, 2)
    b_l = jax.lax.bitwise_and(iota16, 3)

    def _zero(bref):
        def _zinit(i, c):
            for off in range(0, 128, 16):
                bref[i, pl.ds(off, 16)] = zeros16
            return c

        lax.fori_loop(0, BLK_ROWS, _zinit, 0)

    blk_mask = jnp.less(iota16, T_PER_BLK * B)

    def blk(k):
        idv = ids_v[pl.ds(k * (T_PER_BLK * B), 16)]
        r = t_l * ROWS_PER_T + jax.lax.shift_right_logical(idv, 7) * B + b_l
        return r, jax.lax.bitwise_and(idv, 127)

    def dst(k):
        row0 = (wid * T_PER_W + k * T_PER_BLK) * ROWS_PER_T
        return out_hbm.at[pl.ds(row0, BLK_ROWS), :]

    _zero(buf0)
    r0, c0 = blk(0)
    plsc.store_scatter(buf0, [r0, c0], ones16, mask=blk_mask)
    pltpu.async_copy(buf0, dst(0), sem0)
    _zero(buf1)
    r1, c1 = blk(1)
    plsc.store_scatter(buf1, [r1, c1], ones16, mask=blk_mask)
    pltpu.async_copy(buf1, dst(1), sem1)

    def _pipe(i, c):
        k0 = 2 * i
        for buf, sem, kk in ((buf0, sem0, k0), (buf1, sem1, k0 + 1)):
            pltpu.make_async_copy(buf, dst(kk - 2), sem).wait()
            ro, co = blk(kk - 2)
            plsc.store_scatter(buf, [ro, co], zeros16, mask=blk_mask)
            rn, cn = blk(kk)
            plsc.store_scatter(buf, [rn, cn], ones16, mask=blk_mask)
            pltpu.async_copy(buf, dst(kk), sem)
        return c

    lax.fori_loop(1, NBLK // 2, _pipe, 0)

    pltpu.make_async_copy(buf0, dst(NBLK - 2), sem0).wait()
    pltpu.make_async_copy(buf1, dst(NBLK - 1), sem1).wait()

    @pl.when(wid == 0)
    def _tail():
        old_r, old_c = blk(NBLK - 2)
        plsc.store_scatter(buf0, [old_r, old_c], zeros16, mask=blk_mask)
        tid = tail_v[pl.ds(0, 16)]
        r = jax.lax.shift_right_logical(tid, 7) * B + b_l
        c = jax.lax.bitwise_and(tid, 127)
        lane = jnp.less(iota16, B)
        plsc.store_scatter(buf0, [r, c], ones16, mask=lane)
        pltpu.sync_copy(buf0.at[pl.ds(0, ROWS_PER_T)],
                        out_hbm.at[pl.ds(T * ROWS_PER_T, ROWS_PER_T), :])


@functools.partial(jax.jit, static_argnums=())
def kernel(input_ids):
    ids32 = input_ids.astype(jnp.int32)
    padded = jnp.pad(ids32, ((0, 0), (1, 0)), constant_values=0)
    ids = jnp.pad(padded.T.reshape((T + 1) * B), (0, IDS_PAD - (T + 1) * B))
    k = pl.kernel(
        _body,
        out_type=jax.ShapeDtypeStruct((OUT_ROWS, 128), jnp.float32),
        mesh=plsc.VectorSubcoreMesh(core_axis_name="c", subcore_axis_name="s"),
        compiler_params=pltpu.CompilerParams(needs_layout_passes=False),
        scratch_types=[
            pltpu.VMEM((T_PER_W * B + 16,), jnp.int32),
            pltpu.VMEM((16,), jnp.int32),
            pltpu.VMEM((BLK_ROWS, 128), jnp.float32),
            pltpu.VMEM((BLK_ROWS, 128), jnp.float32),
            pltpu.SemaphoreType.DMA,
            pltpu.SemaphoreType.DMA,
        ],
    )
    out = k(ids)
    return (out.reshape(T + 1, D_MODEL // 128, B, 128)
               .transpose(2, 0, 1, 3)
               .reshape(B, T + 1, D_MODEL))

# --- scband reference (transcript-rebuilt; emitter-appended) ---
"""Pipeline reference for scband-text-input-26336739459442 (READ-ONLY COPY).

The authoritative reference and input builder live on the scoring server;
editing this copy changes nothing except your own understanding.
"""

import jax, jax.numpy as jnp
import numpy as np

BOS = 0
N_VOCAB_IN = 1000
D_MODEL = 1024

def setup_inputs(seed: int = 0) -> dict:
    key = jax.random.key(seed)
    input_ids = jax.random.randint(key, (4, 2048), 0, N_VOCAB_IN, dtype=jnp.int64 if jax.config.jax_enable_x64 else jnp.int32)
    return {"input_ids": input_ids}

def reference(input_ids):
    # torch: one_hot(pad(input_ids, (1, 0), 'constant', bos), d_model).float()
    # pad last dim on the left with one bos token
    padded = jnp.pad(input_ids, ((0, 0), (1, 0)), mode='constant', constant_values=BOS)
    out = jax.nn.one_hot(padded, D_MODEL, dtype=jnp.float32)
    return out

if __name__ == "__main__":
    import jax
    _d = setup_inputs()
    print(jax.jit(kernel)(*tuple(_d.values())))

</pallas_src>

<mosaic_0001>
#map = affine_map<(d0, d1) -> (0)>
#map1 = affine_map<(d0, d1) -> (0, 0)>
module attributes {stable_mosaic.version = 14 : i64} {
  func.func @_body(%arg0: i32, %arg1: i32, %arg2: memref<8208xi32, #tpu.memory_space<hbm>>, %arg3: memref<65568x128xf32, #tpu.memory_space<hbm>>, %arg4: memref<272xi32, #tpu.memory_space<vmem>>, %arg5: memref<16xi32, #tpu.memory_space<vmem>>, %arg6: memref<64x128xf32, #tpu.memory_space<vmem>>, %arg7: memref<64x128xf32, #tpu.memory_space<vmem>>, %arg8: memref<!tpu.dma_semaphore, #tpu.memory_space<semaphore_mem>>, %arg9: memref<!tpu.dma_semaphore, #tpu.memory_space<semaphore_mem>>) attributes {dimension_semantics = [#tpu.dimension_semantics<core_parallel>, #tpu.dimension_semantics<subcore_parallel>], iteration_bounds = array<i64: 2, 16>, scalar_prefetch = 0 : i64, scratch_operands = 6 : i64, tpu.core_type = #tpu.core_type<sc_vector_subcore>, window_params = [{transform_indices = #map}, {transform_indices = #map1}]} {
    %mul3A = arith.constant 2 : i32
    %mul3A_0 = arith.muli %arg1, %mul3A : i32
    %add3A = arith.addi %mul3A_0, %arg0 : i32
    %mul3A_1 = arith.constant 64 : i32
    %mul3A_2 = arith.muli %add3A, %mul3A_1 : i32
    %mul3A_3 = arith.constant 4 : i32
    %mul3A_4 = arith.muli %mul3A_2, %mul3A_3 : i32
    "tpu.region"() ({
      %run_scoped3A = tpu.sem_alloc : memref<!tpu.dma_semaphore, #tpu.memory_space<semaphore_mem>>
      %dma_start3A_102 = arith.constant 0 : i32
      %dma_start3A_103 = tpu.memref_slice %arg4[%dma_start3A_102] : memref<272xi32, #tpu.memory_space<vmem>> -> memref<256xi32, #tpu.memory_space<vmem>>
      %dma_start3A_104 = tpu.memref_slice %arg2[%mul3A_4] : memref<8208xi32, #tpu.memory_space<hbm>> -> memref<256xi32, #tpu.memory_space<hbm>>
      %dma_start3A_105 = arith.constant 0 : i32
      %dma_start3A_106 = tpu.memref_slice %arg4[%dma_start3A_105] : memref<272xi32, #tpu.memory_space<vmem>> -> memref<256xi32, #tpu.memory_space<vmem>>
      %dma_start3A_107 = tpu.memref_slice %arg2[%mul3A_4] : memref<8208xi32, #tpu.memory_space<hbm>> -> memref<256xi32, #tpu.memory_space<hbm>>
      tpu.enqueue_dma source(%dma_start3A_107 : memref<256xi32, #tpu.memory_space<hbm>>) target(%dma_start3A_106 : memref<256xi32, #tpu.memory_space<vmem>>) target_semaphore(%run_scoped3A : memref<!tpu.dma_semaphore, #tpu.memory_space<semaphore_mem>>)
      %dma_wait3A_108 = arith.constant 0 : i32
      %dma_wait3A_109 = tpu.memref_slice %arg4[%dma_wait3A_108] : memref<272xi32, #tpu.memory_space<vmem>> -> memref<256xi32, #tpu.memory_space<vmem>>
      %dma_wait3A_110 = tpu.memref_slice %arg2[%mul3A_4] : memref<8208xi32, #tpu.memory_space<hbm>> -> memref<256xi32, #tpu.memory_space<hbm>>
      %dma_wait3A_111 = arith.constant 0 : i32
      %dma_wait3A_112 = tpu.memref_slice %arg4[%dma_wait3A_111] : memref<272xi32, #tpu.memory_space<vmem>> -> memref<256xi32, #tpu.memory_space<vmem>>
      %dma_wait3A_113 = tpu.memref_slice %arg2[%mul3A_4] : memref<8208xi32, #tpu.memory_space<hbm>> -> memref<256xi32, #tpu.memory_space<hbm>>
      tpu.wait_dma2 semaphore(%run_scoped3A : memref<!tpu.dma_semaphore, #tpu.memory_space<semaphore_mem>>) src(%dma_wait3A_113 : memref<256xi32, #tpu.memory_space<hbm>>) dst(%dma_wait3A_112 : memref<256xi32, #tpu.memory_space<vmem>>)
      tpu.yield
    }) : () -> ()
    "tpu.region"() ({
      %run_scoped3A = tpu.sem_alloc : memref<!tpu.dma_semaphore, #tpu.memory_space<semaphore_mem>>
      %dma_start3A_102 = arith.constant 8192 : i32
      %dma_start3A_103 = tpu.memref_slice %arg2[%dma_start3A_102] : memref<8208xi32, #tpu.memory_space<hbm>> -> memref<16xi32, #tpu.memory_space<hbm>>
      %dma_start3A_104 = arith.constant 8192 : i32
      %dma_start3A_105 = tpu.memref_slice %arg2[%dma_start3A_104] : memref<8208xi32, #tpu.memory_space<hbm>> -> memref<16xi32, #tpu.memory_space<hbm>>
      tpu.enqueue_dma source(%dma_start3A_105 : memref<16xi32, #tpu.memory_space<hbm>>) target(%arg5 : memref<16xi32, #tpu.memory_space<vmem>>) target_semaphore(%run_scoped3A : memref<!tpu.dma_semaphore, #tpu.memory_space<semaphore_mem>>)
      %dma_wait3A_106 = arith.constant 8192 : i32
      %dma_wait3A_107 = tpu.memref_slice %arg2[%dma_wait3A_106] : memref<8208xi32, #tpu.memory_space<hbm>> -> memref<16xi32, #tpu.memory_space<hbm>>
      %dma_wait3A_108 = arith.constant 8192 : i32
      %dma_wait3A_109 = tpu.memref_slice %arg2[%dma_wait3A_108] : memref<8208xi32, #tpu.memory_space<hbm>> -> memref<16xi32, #tpu.memory_space<hbm>>
      tpu.wait_dma2 semaphore(%run_scoped3A : memref<!tpu.dma_semaphore, #tpu.memory_space<semaphore_mem>>) src(%dma_wait3A_109 : memref<16xi32, #tpu.memory_space<hbm>>) dst(%arg5 : memref<16xi32, #tpu.memory_space<vmem>>)
      tpu.yield
    }) : () -> ()
    %broadcast_in_dim3A = arith.constant 0.000000e+00 : f32
    %broadcast_in_dim3A_5 = vector.broadcast %broadcast_in_dim3A : f32 to vector<16xf32>
    %broadcast_in_dim3A_6 = arith.constant 1.000000e+00 : f32
    %broadcast_in_dim3A_7 = vector.broadcast %broadcast_in_dim3A_6 : f32 to vector<16xf32>
    %iota3A = tpu.iota {dimensions = array<i32: 0>} : vector<16xi32>
    %shift_right_logical3A = arith.constant 2 : i32
    %shift_right_logical3A_8 = vector.broadcast %shift_right_logical3A : i32 to vector<16xi32>
    %shift_right_logical3A_9 = arith.shrui %iota3A, %shift_right_logical3A_8 : vector<16xi32>
    %and3A = arith.constant 3 : i32
    %and3A_10 = vector.broadcast %and3A : i32 to vector<16xi32>
    %and3A_11 = arith.andi %iota3A, %and3A_10 : vector<16xi32>
    %lt3A = arith.constant 8 : i32
    %lt3A_12 = vector.broadcast %lt3A : i32 to vector<16xi32>
    %lt3A_13 = arith.cmpi slt, %iota3A, %lt3A_12 : vector<16xi32>
    %scan3A = arith.constant 0 : i32
    %scan3A_14 = arith.constant 0 : i32
    %scan3A_15 = arith.constant 64 : i32
    %scan3A_16 = arith.addi %scan3A_14, %scan3A_15 : i32
    %scan3A_17 = arith.constant 1 : i32
    scf.for %scan3A_102 = %scan3A_14 to %scan3A_16 step %scan3A_17  : i32 {
      %swap3A = arith.index_cast %scan3A_102 : i32 to index
      %swap3A_103 = arith.constant 0 : index
      %swap3A_104 = tpu.vector_load %arg6[%swap3A, %swap3A_103] {strides = array<i32>} : memref<64x128xf32, #tpu.memory_space<vmem>>, vector<16xf32>,
      tpu.vector_store %arg6[%swap3A, %swap3A_103], %broadcast_in_dim3A_5 {strides = array<i32>} : memref<64x128xf32, #tpu.memory_space<vmem>>, vector<16xf32>,
      %swap3A_105 = arith.index_cast %scan3A_102 : i32 to index
      %swap3A_106 = arith.constant 16 : index
      %swap3A_107 = tpu.vector_load %arg6[%swap3A_105, %swap3A_106] {strides = array<i32>} : memref<64x128xf32, #tpu.memory_space<vmem>>, vector<16xf32>,
      tpu.vector_store %arg6[%swap3A_105, %swap3A_106], %broadcast_in_dim3A_5 {strides = array<i32>} : memref<64x128xf32, #tpu.memory_space<vmem>>, vector<16xf32>,
      %swap3A_108 = arith.index_cast %scan3A_102 : i32 to index
      %swap3A_109 = arith.constant 32 : index
      %swap3A_110 = tpu.vector_load %arg6[%swap3A_108, %swap3A_109] {strides = array<i32>} : memref<64x128xf32, #tpu.memory_space<vmem>>, vector<16xf32>,
      tpu.vector_store %arg6[%swap3A_108, %swap3A_109], %broadcast_in_dim3A_5 {strides = array<i32>} : memref<64x128xf32, #tpu.memory_space<vmem>>, vector<16xf32>,
      %swap3A_111 = arith.index_cast %scan3A_102 : i32 to index
      %swap3A_112 = arith.constant 48 : index
      %swap3A_113 = tpu.vector_load %arg6[%swap3A_111, %swap3A_112] {strides = array<i32>} : memref<64x128xf32, #tpu.memory_space<vmem>>, vector<16xf32>,
      tpu.vector_store %arg6[%swap3A_111, %swap3A_112], %broadcast_in_dim3A_5 {strides = array<i32>} : memref<64x128xf32, #tpu.memory_space<vmem>>, vector<16xf32>,
      %swap3A_114 = arith.index_cast %scan3A_102 : i32 to index
      %swap3A_115 = arith.constant 64 : index
      %swap3A_116 = tpu.vector_load %arg6[%swap3A_114, %swap3A_115] {strides = array<i32>} : memref<64x128xf32, #tpu.memory_space<vmem>>, vector<16xf32>,
      tpu.vector_store %arg6[%swap3A_114, %swap3A_115], %broadcast_in_dim3A_5 {strides = array<i32>} : memref<64x128xf32, #tpu.memory_space<vmem>>, vector<16xf32>,
      %swap3A_117 = arith.index_cast %scan3A_102 : i32 to index
      %swap3A_118 = arith.constant 80 : index
      %swap3A_119 = tpu.vector_load %arg6[%swap3A_117, %swap3A_118] {strides = array<i32>} : memref<64x128xf32, #tpu.memory_space<vmem>>, vector<16xf32>,
      tpu.vector_store %arg6[%swap3A_117, %swap3A_118], %broadcast_in_dim3A_5 {strides = array<i32>} : memref<64x128xf32, #tpu.memory_space<vmem>>, vector<16xf32>,
      %swap3A_120 = arith.index_cast %scan3A_102 : i32 to index
      %swap3A_121 = arith.constant 96 : index
      %swap3A_122 = tpu.vector_load %arg6[%swap3A_120, %swap3A_121] {strides = array<i32>} : memref<64x128xf32, #tpu.memory_space<vmem>>, vector<16xf32>,
      tpu.vector_store %arg6[%swap3A_120, %swap3A_121], %broadcast_in_dim3A_5 {strides = array<i32>} : memref<64x128xf32, #tpu.memory_space<vmem>>, vector<16xf32>,
      %swap3A_123 = arith.index_cast %scan3A_102 : i32 to index
      %swap3A_124 = arith.constant 112 : index
      %swap3A_125 = tpu.vector_load %arg6[%swap3A_123, %swap3A_124] {strides = array<i32>} : memref<64x128xf32, #tpu.memory_space<vmem>>, vector<16xf32>,
      tpu.vector_store %arg6[%swap3A_123, %swap3A_124], %broadcast_in_dim3A_5 {strides = array<i32>} : memref<64x128xf32, #tpu.memory_space<vmem>>, vector<16xf32>,
    }
    %scan3A_18 = arith.constant 64 : i32
    %get3A = arith.constant 0 : index
    %get3A_19 = tpu.vector_load %arg4[%get3A] {strides = array<i32>} : memref<272xi32, #tpu.memory_space<vmem>>, vector<16xi32>,
    %mul3A_20 = arith.constant 32 : i32
    %mul3A_21 = vector.broadcast %mul3A_20 : i32 to vector<16xi32>
    %mul3A_22 = arith.muli %shift_right_logical3A_9, %mul3A_21 : vector<16xi32>
    %shift_right_logical3A_23 = arith.constant 7 : i32
    %shift_right_logical3A_24 = vector.broadcast %shift_right_logical3A_23 : i32 to vector<16xi32>
    %shift_right_logical3A_25 = arith.shrui %get3A_19, %shift_right_logical3A_24 : vector<16xi32>
    %mul3A_26 = arith.constant 4 : i32
    %mul3A_27 = vector.broadcast %mul3A_26 : i32 to vector<16xi32>
    %mul3A_28 = arith.muli %shift_right_logical3A_25, %mul3A_27 : vector<16xi32>
    %add3A_29 = arith.addi %mul3A_22, %mul3A_28 : vector<16xi32>
    %add3A_30 = arith.addi %add3A_29, %and3A_11 : vector<16xi32>
    %and3A_31 = arith.constant 127 : i32
    %and3A_32 = vector.broadcast %and3A_31 : i32 to vector<16xi32>
    %and3A_33 = arith.andi %get3A_19, %and3A_32 : vector<16xi32>
    tpu.vector_store_idx %arg6[%add3A_30, %and3A_33], %broadcast_in_dim3A_7 masked %lt3A_13 : memref<64x128xf32, #tpu.memory_space<vmem>>[vector<16xi32>, vector<16xi32>], vector<16xf32>, vector<16xi1>
    %mul3A_34 = arith.constant 64 : i32
    %mul3A_35 = arith.muli %add3A, %mul3A_34 : i32
    %add3A_36 = arith.constant 0 : i32
    %add3A_37 = arith.addi %mul3A_35, %add3A_36 : i32
    %mul3A_38 = arith.constant 32 : i32
    %mul3A_39 = arith.muli %add3A_37, %mul3A_38 : i32
    %dma_start3A = arith.constant 0 : i32
    %dma_start3A_40 = tpu.memref_slice %arg3[%mul3A_39, %dma_start3A] : memref<65568x128xf32, #tpu.memory_space<hbm>> -> memref<64x128xf32, #tpu.memory_space<hbm>>
    %dma_start3A_41 = arith.constant 0 : i32
    %dma_start3A_42 = tpu.memref_slice %arg3[%mul3A_39, %dma_start3A_41] : memref<65568x128xf32, #tpu.memory_space<hbm>> -> memref<64x128xf32, #tpu.memory_space<hbm>>
    tpu.enqueue_dma source(%arg6 : memref<64x128xf32, #tpu.memory_space<vmem>>) target(%dma_start3A_42 : memref<64x128xf32, #tpu.memory_space<hbm>>) target_semaphore(%arg8 : memref<!tpu.dma_semaphore, #tpu.memory_space<semaphore_mem>>)
    %scan3A_43 = arith.constant 0 : i32
    %scan3A_44 = arith.constant 0 : i32
    %scan3A_45 = arith.constant 64 : i32
    %scan3A_46 = arith.addi %scan3A_44, %scan3A_45 : i32
    %scan3A_47 = arith.constant 1 : i32
    scf.for %scan3A_102 = %scan3A_44 to %scan3A_46 step %scan3A_47  : i32 {
      %swap3A = arith.index_cast %scan3A_102 : i32 to index
      %swap3A_103 = arith.constant 0 : index
      %swap3A_104 = tpu.vector_load %arg7[%swap3A, %swap3A_103] {strides = array<i32>} : memref<64x128xf32, #tpu.memory_space<vmem>>, vector<16xf32>,
      tpu.vector_store %arg7[%swap3A, %swap3A_103], %broadcast_in_dim3A_5 {strides = array<i32>} : memref<64x128xf32, #tpu.memory_space<vmem>>, vector<16xf32>,
      %swap3A_105 = arith.index_cast %scan3A_102 : i32 to index
      %swap3A_106 = arith.constant 16 : index
      %swap3A_107 = tpu.vector_load %arg7[%swap3A_105, %swap3A_106] {strides = array<i32>} : memref<64x128xf32, #tpu.memory_space<vmem>>, vector<16xf32>,
      tpu.vector_store %arg7[%swap3A_105, %swap3A_106], %broadcast_in_dim3A_5 {strides = array<i32>} : memref<64x128xf32, #tpu.memory_space<vmem>>, vector<16xf32>,
      %swap3A_108 = arith.index_cast %scan3A_102 : i32 to index
      %swap3A_109 = arith.constant 32 : index
      %swap3A_110 = tpu.vector_load %arg7[%swap3A_108, %swap3A_109] {strides = array<i32>} : memref<64x128xf32, #tpu.memory_space<vmem>>, vector<16xf32>,
      tpu.vector_store %arg7[%swap3A_108, %swap3A_109], %broadcast_in_dim3A_5 {strides = array<i32>} : memref<64x128xf32, #tpu.memory_space<vmem>>, vector<16xf32>,
      %swap3A_111 = arith.index_cast %scan3A_102 : i32 to index
      %swap3A_112 = arith.constant 48 : index
      %swap3A_113 = tpu.vector_load %arg7[%swap3A_111, %swap3A_112] {strides = array<i32>} : memref<64x128xf32, #tpu.memory_space<vmem>>, vector<16xf32>,
      tpu.vector_store %arg7[%swap3A_111, %swap3A_112], %broadcast_in_dim3A_5 {strides = array<i32>} : memref<64x128xf32, #tpu.memory_space<vmem>>, vector<16xf32>,
      %swap3A_114 = arith.index_cast %scan3A_102 : i32 to index
      %swap3A_115 = arith.constant 64 : index
      %swap3A_116 = tpu.vector_load %arg7[%swap3A_114, %swap3A_115] {strides = array<i32>} : memref<64x128xf32, #tpu.memory_space<vmem>>, vector<16xf32>,
      tpu.vector_store %arg7[%swap3A_114, %swap3A_115], %broadcast_in_dim3A_5 {strides = array<i32>} : memref<64x128xf32, #tpu.memory_space<vmem>>, vector<16xf32>,
      %swap3A_117 = arith.index_cast %scan3A_102 : i32 to index
      %swap3A_118 = arith.constant 80 : index
      %swap3A_119 = tpu.vector_load %arg7[%swap3A_117, %swap3A_118] {strides = array<i32>} : memref<64x128xf32, #tpu.memory_space<vmem>>, vector<16xf32>,
      tpu.vector_store %arg7[%swap3A_117, %swap3A_118], %broadcast_in_dim3A_5 {strides = array<i32>} : memref<64x128xf32, #tpu.memory_space<vmem>>, vector<16xf32>,
      %swap3A_120 = arith.index_cast %scan3A_102 : i32 to index
      %swap3A_121 = arith.constant 96 : index
      %swap3A_122 = tpu.vector_load %arg7[%swap3A_120, %swap3A_121] {strides = array<i32>} : memref<64x128xf32, #tpu.memory_space<vmem>>, vector<16xf32>,
      tpu.vector_store %arg7[%swap3A_120, %swap3A_121], %broadcast_in_dim3A_5 {strides = array<i32>} : memref<64x128xf32, #tpu.memory_space<vmem>>, vector<16xf32>,
      %swap3A_123 = arith.index_cast %scan3A_102 : i32 to index
      %swap3A_124 = arith.constant 112 : index
      %swap3A_125 = tpu.vector_load %arg7[%swap3A_123, %swap3A_124] {strides = array<i32>} : memref<64x128xf32, #tpu.memory_space<vmem>>, vector<16xf32>,
      tpu.vector_store %arg7[%swap3A_123, %swap3A_124], %broadcast_in_dim3A_5 {strides = array<i32>} : memref<64x128xf32, #tpu.memory_space<vmem>>, vector<16xf32>,
    }
    %scan3A_48 = arith.constant 64 : i32
    %get3A_49 = arith.constant 8 : index
    %get3A_50 = tpu.vector_load %arg4[%get3A_49] {strides = array<i32>} : memref<272xi32, #tpu.memory_space<vmem>>, vector<16xi32>,
    %mul3A_51 = arith.constant 32 : i32
    %mul3A_52 = vector.broadcast %mul3A_51 : i32 to vector<16xi32>
    %mul3A_53 = arith.muli %shift_right_logical3A_9, %mul3A_52 : vector<16xi32>
    %shift_right_logical3A_54 = arith.constant 7 : i32
    %shift_right_logical3A_55 = vector.broadcast %shift_right_logical3A_54 : i32 to vector<16xi32>
    %shift_right_logical3A_56 = arith.shrui %get3A_50, %shift_right_logical3A_55 : vector<16xi32>
    %mul3A_57 = arith.constant 4 : i32
    %mul3A_58 = vector.broadcast %mul3A_57 : i32 to vector<16xi32>
    %mul3A_59 = arith.muli %shift_right_logical3A_56, %mul3A_58 : vector<16xi32>
    %add3A_60 = arith.addi %mul3A_53, %mul3A_59 : vector<16xi32>
    %add3A_61 = arith.addi %add3A_60, %and3A_11 : vector<16xi32>
    %and3A_62 = arith.constant 127 : i32
    %and3A_63 = vector.broadcast %and3A_62 : i32 to vector<16xi32>
    %and3A_64 = arith.andi %get3A_50, %and3A_63 : vector<16xi32>
    tpu.vector_store_idx %arg7[%add3A_61, %and3A_64], %broadcast_in_dim3A_7 masked %lt3A_13 : memref<64x128xf32, #tpu.memory_space<vmem>>[vector<16xi32>, vector<16xi32>], vector<16xf32>, vector<16xi1>
    %mul3A_65 = arith.constant 64 : i32
    %mul3A_66 = arith.muli %add3A, %mul3A_65 : i32
    %add3A_67 = arith.constant 2 : i32
    %add3A_68 = arith.addi %mul3A_66, %add3A_67 : i32
    %mul3A_69 = arith.constant 32 : i32
    %mul3A_70 = arith.muli %add3A_68, %mul3A_69 : i32
    %dma_start3A_71 = arith.constant 0 : i32
    %dma_start3A_72 = tpu.memref_slice %arg3[%mul3A_70, %dma_start3A_71] : memref<65568x128xf32, #tpu.memory_space<hbm>> -> memref<64x128xf32, #tpu.memory_space<hbm>>
    %dma_start3A_73 = arith.constant 0 : i32
    %dma_start3A_74 = tpu.memref_slice %arg3[%mul3A_70, %dma_start3A_73] : memref<65568x128xf32, #tpu.memory_space<hbm>> -> memref<64x128xf32, #tpu.memory_space<hbm>>
    tpu.enqueue_dma source(%arg7 : memref<64x128xf32, #tpu.memory_space<vmem>>) target(%dma_start3A_74 : memref<64x128xf32, #tpu.memory_space<hbm>>) target_semaphore(%arg9 : memref<!tpu.dma_semaphore, #tpu.memory_space<semaphore_mem>>)
    %scan3A_75 = arith.constant 0 : i32
    %scan3A_76 = arith.constant 1 : i32
    %scan3A_77 = arith.constant 15 : i32
    %scan3A_78 = arith.addi %scan3A_76, %scan3A_77 : i32
    %scan3A_79 = arith.constant 1 : i32
    scf.for %scan3A_102 = %scan3A_76 to %scan3A_78 step %scan3A_79  : i32 {
      %mul3A_103 = arith.constant 2 : i32
      %mul3A_104 = arith.muli %mul3A_103, %scan3A_102 : i32
      %add3A_105 = arith.constant 1 : i32
      %add3A_106 = arith.addi %mul3A_104, %add3A_105 : i32
      %sub3A = arith.constant 2 : i32
      %sub3A_107 = arith.subi %mul3A_104, %sub3A : i32
      %mul3A_108 = arith.constant 64 : i32
      %mul3A_109 = arith.muli %add3A, %mul3A_108 : i32
      %mul3A_110 = arith.constant 2 : i32
      %mul3A_111 = arith.muli %sub3A_107, %mul3A_110 : i32
      %add3A_112 = arith.addi %mul3A_109, %mul3A_111 : i32
      %mul3A_113 = arith.constant 32 : i32
      %mul3A_114 = arith.muli %add3A_112, %mul3A_113 : i32
      %dma_wait3A_115 = arith.constant 0 : i32
      %dma_wait3A_116 = tpu.memref_slice %arg3[%mul3A_114, %dma_wait3A_115] : memref<65568x128xf32, #tpu.memory_space<hbm>> -> memref<64x128xf32, #tpu.memory_space<hbm>>
      %dma_wait3A_117 = arith.constant 0 : i32
      %dma_wait3A_118 = tpu.memref_slice %arg3[%mul3A_114, %dma_wait3A_117] : memref<65568x128xf32, #tpu.memory_space<hbm>> -> memref<64x128xf32, #tpu.memory_space<hbm>>
      tpu.wait_dma2 semaphore(%arg8 : memref<!tpu.dma_semaphore, #tpu.memory_space<semaphore_mem>>) src(%arg6 : memref<64x128xf32, #tpu.memory_space<vmem>>) dst(%dma_wait3A_118 : memref<64x128xf32, #tpu.memory_space<hbm>>)
      %sub3A_119 = arith.constant 2 : i32
      %sub3A_120 = arith.subi %mul3A_104, %sub3A_119 : i32
      %mul3A_121 = arith.constant 8 : i32
      %mul3A_122 = arith.muli %sub3A_120, %mul3A_121 : i32
      %get3A_123 = arith.index_cast %mul3A_122 : i32 to index
      %get3A_124 = tpu.vector_load %arg4[%get3A_123] {strides = array<i32>} : memref<272xi32, #tpu.memory_space<vmem>>, vector<16xi32>,
      %mul3A_125 = arith.constant 32 : i32
      %mul3A_126 = vector.broadcast %mul3A_125 : i32 to vector<16xi32>
      %mul3A_127 = arith.muli %shift_right_logical3A_9, %mul3A_126 : vector<16xi32>
      %shift_right_logical3A_128 = arith.constant 7 : i32
      %shift_right_logical3A_129 = vector.broadcast %shift_right_logical3A_128 : i32 to vector<16xi32>
      %shift_right_logical3A_130 = arith.shrui %get3A_124, %shift_right_logical3A_129 : vector<16xi32>
      %mul3A_131 = arith.constant 4 : i32
      %mul3A_132 = vector.broadcast %mul3A_131 : i32 to vector<16xi32>
      %mul3A_133 = arith.muli %shift_right_logical3A_130, %mul3A_132 : vector<16xi32>
      %add3A_134 = arith.addi %mul3A_127, %mul3A_133 : vector<16xi32>
      %add3A_135 = arith.addi %add3A_134, %and3A_11 : vector<16xi32>
      %and3A_136 = arith.constant 127 : i32
      %and3A_137 = vector.broadcast %and3A_136 : i32 to vector<16xi32>
      %and3A_138 = arith.andi %get3A_124, %and3A_137 : vector<16xi32>
      tpu.vector_store_idx %arg6[%add3A_135, %and3A_138], %broadcast_in_dim3A_5 masked %lt3A_13 : memref<64x128xf32, #tpu.memory_space<vmem>>[vector<16xi32>, vector<16xi32>], vector<16xf32>, vector<16xi1>
      %mul3A_139 = arith.constant 8 : i32
      %mul3A_140 = arith.muli %mul3A_104, %mul3A_139 : i32
      %get3A_141 = arith.index_cast %mul3A_140 : i32 to index
      %get3A_142 = tpu.vector_load %arg4[%get3A_141] {strides = array<i32>} : memref<272xi32, #tpu.memory_space<vmem>>, vector<16xi32>,
      %mul3A_143 = arith.constant 32 : i32
      %mul3A_144 = vector.broadcast %mul3A_143 : i32 to vector<16xi32>
      %mul3A_145 = arith.muli %shift_right_logical3A_9, %mul3A_144 : vector<16xi32>
      %shift_right_logical3A_146 = arith.constant 7 : i32
      %shift_right_logical3A_147 = vector.broadcast %shift_right_logical3A_146 : i32 to vector<16xi32>
      %shift_right_logical3A_148 = arith.shrui %get3A_142, %shift_right_logical3A_147 : vector<16xi32>
      %mul3A_149 = arith.constant 4 : i32
      %mul3A_150 = vector.broadcast %mul3A_149 : i32 to vector<16xi32>
      %mul3A_151 = arith.muli %shift_right_logical3A_148, %mul3A_150 : vector<16xi32>
      %add3A_152 = arith.addi %mul3A_145, %mul3A_151 : vector<16xi32>
      %add3A_153 = arith.addi %add3A_152, %and3A_11 : vector<16xi32>
      %and3A_154 = arith.constant 127 : i32
      %and3A_155 = vector.broadcast %and3A_154 : i32 to vector<16xi32>
      %and3A_156 = arith.andi %get3A_142, %and3A_155 : vector<16xi32>
      tpu.vector_store_idx %arg6[%add3A_153, %and3A_156], %broadcast_in_dim3A_7 masked %lt3A_13 : memref<64x128xf32, #tpu.memory_space<vmem>>[vector<16xi32>, vector<16xi32>], vector<16xf32>, vector<16xi1>
      %mul3A_157 = arith.constant 64 : i32
      %mul3A_158 = arith.muli %add3A, %mul3A_157 : i32
      %mul3A_159 = arith.constant 2 : i32
      %mul3A_160 = arith.muli %mul3A_104, %mul3A_159 : i32
      %add3A_161 = arith.addi %mul3A_158, %mul3A_160 : i32
      %mul3A_162 = arith.constant 32 : i32
      %mul3A_163 = arith.muli %add3A_161, %mul3A_162 : i32
      %dma_start3A_164 = arith.constant 0 : i32
      %dma_start3A_165 = tpu.memref_slice %arg3[%mul3A_163, %dma_start3A_164] : memref<65568x128xf32, #tpu.memory_space<hbm>> -> memref<64x128xf32, #tpu.memory_space<hbm>>
      %dma_start3A_166 = arith.constant 0 : i32
      %dma_start3A_167 = tpu.memref_slice %arg3[%mul3A_163, %dma_start3A_166] : memref<65568x128xf32, #tpu.memory_space<hbm>> -> memref<64x128xf32, #tpu.memory_space<hbm>>
      tpu.enqueue_dma source(%arg6 : memref<64x128xf32, #tpu.memory_space<vmem>>) target(%dma_start3A_167 : memref<64x128xf32, #tpu.memory_space<hbm>>) target_semaphore(%arg8 : memref<!tpu.dma_semaphore, #tpu.memory_space<semaphore_mem>>)
      %sub3A_168 = arith.constant 2 : i32
      %sub3A_169 = arith.subi %add3A_106, %sub3A_168 : i32
      %mul3A_170 = arith.constant 64 : i32
      %mul3A_171 = arith.muli %add3A, %mul3A_170 : i32
      %mul3A_172 = arith.constant 2 : i32
      %mul3A_173 = arith.muli %sub3A_169, %mul3A_172 : i32
      %add3A_174 = arith.addi %mul3A_171, %mul3A_173 : i32
      %mul3A_175 = arith.constant 32 : i32
      %mul3A_176 = arith.muli %add3A_174, %mul3A_175 : i32
      %dma_wait3A_177 = arith.constant 0 : i32
      %dma_wait3A_178 = tpu.memref_slice %arg3[%mul3A_176, %dma_wait3A_177] : memref<65568x128xf32, #tpu.memory_space<hbm>> -> memref<64x128xf32, #tpu.memory_space<hbm>>
      %dma_wait3A_179 = arith.constant 0 : i32
      %dma_wait3A_180 = tpu.memref_slice %arg3[%mul3A_176, %dma_wait3A_179] : memref<65568x128xf32, #tpu.memory_space<hbm>> -> memref<64x128xf32, #tpu.memory_space<hbm>>
      tpu.wait_dma2 semaphore(%arg9 : memref<!tpu.dma_semaphore, #tpu.memory_space<semaphore_mem>>) src(%arg7 : memref<64x128xf32, #tpu.memory_space<vmem>>) dst(%dma_wait3A_180 : memref<64x128xf32, #tpu.memory_space<hbm>>)
      %sub3A_181 = arith.constant 2 : i32
      %sub3A_182 = arith.subi %add3A_106, %sub3A_181 : i32
      %mul3A_183 = arith.constant 8 : i32
      %mul3A_184 = arith.muli %sub3A_182, %mul3A_183 : i32
      %get3A_185 = arith.index_cast %mul3A_184 : i32 to index
      %get3A_186 = tpu.vector_load %arg4[%get3A_185] {strides = array<i32>} : memref<272xi32, #tpu.memory_space<vmem>>, vector<16xi32>,
      %mul3A_187 = arith.constant 32 : i32
      %mul3A_188 = vector.broadcast %mul3A_187 : i32 to vector<16xi32>
      %mul3A_189 = arith.muli %shift_right_logical3A_9, %mul3A_188 : vector<16xi32>
      %shift_right_logical3A_190 = arith.constant 7 : i32
      %shift_right_logical3A_191 = vector.broadcast %shift_right_logical3A_190 : i32 to vector<16xi32>
      %shift_right_logical3A_192 = arith.shrui %get3A_186, %shift_right_logical3A_191 : vector<16xi32>
      %mul3A_193 = arith.constant 4 : i32
      %mul3A_194 = vector.broadcast %mul3A_193 : i32 to vector<16xi32>
      %mul3A_195 = arith.muli %shift_right_logical3A_192, %mul3A_194 : vector<16xi32>
      %add3A_196 = arith.addi %mul3A_189, %mul3A_195 : vector<16xi32>
      %add3A_197 = arith.addi %add3A_196, %and3A_11 : vector<16xi32>
      %and3A_198 = arith.constant 127 : i32
      %and3A_199 = vector.broadcast %and3A_198 : i32 to vector<16xi32>
      %and3A_200 = arith.andi %get3A_186, %and3A_199 : vector<16xi32>
      tpu.vector_store_idx %arg7[%add3A_197, %and3A_200], %broadcast_in_dim3A_5 masked %lt3A_13 : memref<64x128xf32, #tpu.memory_space<vmem>>[vector<16xi32>, vector<16xi32>], vector<16xf32>, vector<16xi1>
      %mul3A_201 = arith.constant 8 : i32
      %mul3A_202 = arith.muli %add3A_106, %mul3A_201 : i32
      %get3A_203 = arith.index_cast %mul3A_202 : i32 to index
      %get3A_204 = tpu.vector_load %arg4[%get3A_203] {strides = array<i32>} : memref<272xi32, #tpu.memory_space<vmem>>, vector<16xi32>,
      %mul3A_205 = arith.constant 32 : i32
      %mul3A_206 = vector.broadcast %mul3A_205 : i32 to vector<16xi32>
      %mul3A_207 = arith.muli %shift_right_logical3A_9, %mul3A_206 : vector<16xi32>
      %shift_right_logical3A_208 = arith.constant 7 : i32
      %shift_right_logical3A_209 = vector.broadcast %shift_right_logical3A_208 : i32 to vector<16xi32>
      %shift_right_logical3A_210 = arith.shrui %get3A_204, %shift_right_logical3A_209 : vector<16xi32>
      %mul3A_211 = arith.constant 4 : i32
      %mul3A_212 = vector.broadcast %mul3A_211 : i32 to vector<16xi32>
      %mul3A_213 = arith.muli %shift_right_logical3A_210, %mul3A_212 : vector<16xi32>
      %add3A_214 = arith.addi %mul3A_207, %mul3A_213 : vector<16xi32>
      %add3A_215 = arith.addi %add3A_214, %and3A_11 : vector<16xi32>
      %and3A_216 = arith.constant 127 : i32
      %and3A_217 = vector.broadcast %and3A_216 : i32 to vector<16xi32>
      %and3A_218 = arith.andi %get3A_204, %and3A_217 : vector<16xi32>
      tpu.vector_store_idx %arg7[%add3A_215, %and3A_218], %broadcast_in_dim3A_7 masked %lt3A_13 : memref<64x128xf32, #tpu.memory_space<vmem>>[vector<16xi32>, vector<16xi32>], vector<16xf32>, vector<16xi1>
      %mul3A_219 = arith.constant 64 : i32
      %mul3A_220 = arith.muli %add3A, %mul3A_219 : i32
      %mul3A_221 = arith.constant 2 : i32
      %mul3A_222 = arith.muli %add3A_106, %mul3A_221 : i32
      %add3A_223 = arith.addi %mul3A_220, %mul3A_222 : i32
      %mul3A_224 = arith.constant 32 : i32
      %mul3A_225 = arith.muli %add3A_223, %mul3A_224 : i32
      %dma_start3A_226 = arith.constant 0 : i32
      %dma_start3A_227 = tpu.memref_slice %arg3[%mul3A_225, %dma_start3A_226] : memref<65568x128xf32, #tpu.memory_space<hbm>> -> memref<64x128xf32, #tpu.memory_space<hbm>>
      %dma_start3A_228 = arith.constant 0 : i32
      %dma_start3A_229 = tpu.memref_slice %arg3[%mul3A_225, %dma_start3A_228] : memref<65568x128xf32, #tpu.memory_space<hbm>> -> memref<64x128xf32, #tpu.memory_space<hbm>>
      tpu.enqueue_dma source(%arg7 : memref<64x128xf32, #tpu.memory_space<vmem>>) target(%dma_start3A_229 : memref<64x128xf32, #tpu.memory_space<hbm>>) target_semaphore(%arg9 : memref<!tpu.dma_semaphore, #tpu.memory_space<semaphore_mem>>)
    }
    %scan3A_80 = arith.constant 15 : i32
    %mul3A_81 = arith.constant 64 : i32
    %mul3A_82 = arith.muli %add3A, %mul3A_81 : i32
    %add3A_83 = arith.constant 60 : i32
    %add3A_84 = arith.addi %mul3A_82, %add3A_83 : i32
    %mul3A_85 = arith.constant 32 : i32
    %mul3A_86 = arith.muli %add3A_84, %mul3A_85 : i32
    %dma_wait3A = arith.constant 0 : i32
    %dma_wait3A_87 = tpu.memref_slice %arg3[%mul3A_86, %dma_wait3A] : memref<65568x128xf32, #tpu.memory_space<hbm>> -> memref<64x128xf32, #tpu.memory_space<hbm>>
    %dma_wait3A_88 = arith.constant 0 : i32
    %dma_wait3A_89 = tpu.memref_slice %arg3[%mul3A_86, %dma_wait3A_88] : memref<65568x128xf32, #tpu.memory_space<hbm>> -> memref<64x128xf32, #tpu.memory_space<hbm>>
    tpu.wait_dma2 semaphore(%arg8 : memref<!tpu.dma_semaphore, #tpu.memory_space<semaphore_mem>>) src(%arg6 : memref<64x128xf32, #tpu.memory_space<vmem>>) dst(%dma_wait3A_89 : memref<64x128xf32, #tpu.memory_space<hbm>>)
    %mul3A_90 = arith.constant 64 : i32
    %mul3A_91 = arith.muli %add3A, %mul3A_90 : i32
    %add3A_92 = arith.constant 62 : i32
    %add3A_93 = arith.addi %mul3A_91, %add3A_92 : i32
    %mul3A_94 = arith.constant 32 : i32
    %mul3A_95 = arith.muli %add3A_93, %mul3A_94 : i32
    %dma_wait3A_96 = arith.constant 0 : i32
    %dma_wait3A_97 = tpu.memref_slice %arg3[%mul3A_95, %dma_wait3A_96] : memref<65568x128xf32, #tpu.memory_space<hbm>> -> memref<64x128xf32, #tpu.memory_space<hbm>>
    %dma_wait3A_98 = arith.constant 0 : i32
    %dma_wait3A_99 = tpu.memref_slice %arg3[%mul3A_95, %dma_wait3A_98] : memref<65568x128xf32, #tpu.memory_space<hbm>> -> memref<64x128xf32, #tpu.memory_space<hbm>>
    tpu.wait_dma2 semaphore(%arg9 : memref<!tpu.dma_semaphore, #tpu.memory_space<semaphore_mem>>) src(%arg7 : memref<64x128xf32, #tpu.memory_space<vmem>>) dst(%dma_wait3A_99 : memref<64x128xf32, #tpu.memory_space<hbm>>)
    %eq3A = arith.constant 0 : i32
    %eq3A_100 = arith.cmpi eq, %add3A, %eq3A : i32
    %convert_element_type3A = arith.extui %eq3A_100 : i1 to i32
    %cond3A = arith.constant 0 : i32
    %cond3A_101 = arith.cmpi ne, %convert_element_type3A, %cond3A : i32
    scf.if %cond3A_101 {
      %get3A_102 = arith.constant 240 : index
      %get3A_103 = tpu.vector_load %arg4[%get3A_102] {strides = array<i32>} : memref<272xi32, #tpu.memory_space<vmem>>, vector<16xi32>,
      %mul3A_104 = arith.constant 32 : i32
      %mul3A_105 = vector.broadcast %mul3A_104 : i32 to vector<16xi32>
      %mul3A_106 = arith.muli %shift_right_logical3A_9, %mul3A_105 : vector<16xi32>
      %shift_right_logical3A_107 = arith.constant 7 : i32
      %shift_right_logical3A_108 = vector.broadcast %shift_right_logical3A_107 : i32 to vector<16xi32>
      %shift_right_logical3A_109 = arith.shrui %get3A_103, %shift_right_logical3A_108 : vector<16xi32>
      %mul3A_110 = arith.constant 4 : i32
      %mul3A_111 = vector.broadcast %mul3A_110 : i32 to vector<16xi32>
      %mul3A_112 = arith.muli %shift_right_logical3A_109, %mul3A_111 : vector<16xi32>
      %add3A_113 = arith.addi %mul3A_106, %mul3A_112 : vector<16xi32>
      %add3A_114 = arith.addi %add3A_113, %and3A_11 : vector<16xi32>
      %and3A_115 = arith.constant 127 : i32
      %and3A_116 = vector.broadcast %and3A_115 : i32 to vector<16xi32>
      %and3A_117 = arith.andi %get3A_103, %and3A_116 : vector<16xi32>
      tpu.vector_store_idx %arg6[%add3A_114, %and3A_117], %broadcast_in_dim3A_5 masked %lt3A_13 : memref<64x128xf32, #tpu.memory_space<vmem>>[vector<16xi32>, vector<16xi32>], vector<16xf32>, vector<16xi1>
      %get3A_118 = arith.constant 0 : index
      %get3A_119 = tpu.vector_load %arg5[%get3A_118] {strides = array<i32>} : memref<16xi32, #tpu.memory_space<vmem>>, vector<16xi32>,
      %shift_right_logical3A_120 = arith.constant 7 : i32
      %shift_right_logical3A_121 = vector.broadcast %shift_right_logical3A_120 : i32 to vector<16xi32>
      %shift_right_logical3A_122 = arith.shrui %get3A_119, %shift_right_logical3A_121 : vector<16xi32>
      %mul3A_123 = arith.constant 4 : i32
      %mul3A_124 = vector.broadcast %mul3A_123 : i32 to vector<16xi32>
      %mul3A_125 = arith.muli %shift_right_logical3A_122, %mul3A_124 : vector<16xi32>
      %add3A_126 = arith.addi %mul3A_125, %and3A_11 : vector<16xi32>
      %and3A_127 = arith.constant 127 : i32
      %and3A_128 = vector.broadcast %and3A_127 : i32 to vector<16xi32>
      %and3A_129 = arith.andi %get3A_119, %and3A_128 : vector<16xi32>
      %lt3A_130 = arith.constant 4 : i32
      %lt3A_131 = vector.broadcast %lt3A_130 : i32 to vector<16xi32>
      %lt3A_132 = arith.cmpi slt, %iota3A, %lt3A_131 : vector<16xi32>
      tpu.vector_store_idx %arg6[%add3A_126, %and3A_129], %broadcast_in_dim3A_7 masked %lt3A_132 : memref<64x128xf32, #tpu.memory_space<vmem>>[vector<16xi32>, vector<16xi32>], vector<16xf32>, vector<16xi1>
      "tpu.region"() ({
        %run_scoped3A = tpu.sem_alloc : memref<!tpu.dma_semaphore, #tpu.memory_space<semaphore_mem>>
        %dma_start3A_133 = arith.constant 0 : i32
        %dma_start3A_134 = arith.constant 0 : i32
        %dma_start3A_135 = tpu.memref_slice %arg6[%dma_start3A_133, %dma_start3A_134] : memref<64x128xf32, #tpu.memory_space<vmem>> -> memref<32x128xf32, #tpu.memory_space<vmem>>
        %dma_start3A_136 = arith.constant 65536 : i32
        %dma_start3A_137 = arith.constant 0 : i32
        %dma_start3A_138 = tpu.memref_slice %arg3[%dma_start3A_136, %dma_start3A_137] : memref<65568x128xf32, #tpu.memory_space<hbm>> -> memref<32x128xf32, #tpu.memory_space<hbm>>
        %dma_start3A_139 = arith.constant 65536 : i32
        %dma_start3A_140 = arith.constant 0 : i32
        %dma_start3A_141 = tpu.memref_slice %arg3[%dma_start3A_139, %dma_start3A_140] : memref<65568x128xf32, #tpu.memory_space<hbm>> -> memref<32x128xf32, #tpu.memory_space<hbm>>
        %dma_start3A_142 = arith.constant 0 : i32
        %dma_start3A_143 = arith.constant 0 : i32
        %dma_start3A_144 = tpu.memref_slice %arg6[%dma_start3A_142, %dma_start3A_143] : memref<64x128xf32, #tpu.memory_space<vmem>> -> memref<32x128xf32, #tpu.memory_space<vmem>>
        tpu.enqueue_dma source(%dma_start3A_144 : memref<32x128xf32, #tpu.memory_space<vmem>>) target(%dma_start3A_141 : memref<32x128xf32, #tpu.memory_space<hbm>>) target_semaphore(%run_scoped3A : memref<!tpu.dma_semaphore, #tpu.memory_space<semaphore_mem>>)
        %dma_wait3A_145 = arith.constant 0 : i32
        %dma_wait3A_146 = arith.constant 0 : i32
        %dma_wait3A_147 = tpu.memref_slice %arg6[%dma_wait3A_145, %dma_wait3A_146] : memref<64x128xf32, #tpu.memory_space<vmem>> -> memref<32x128xf32, #tpu.memory_space<vmem>>
        %dma_wait3A_148 = arith.constant 65536 : i32
        %dma_wait3A_149 = arith.constant 0 : i32
        %dma_wait3A_150 = tpu.memref_slice %arg3[%dma_wait3A_148, %dma_wait3A_149] : memref<65568x128xf32, #tpu.memory_space<hbm>> -> memref<32x128xf32, #tpu.memory_space<hbm>>
        %dma_wait3A_151 = arith.constant 65536 : i32
        %dma_wait3A_152 = arith.constant 0 : i32
        %dma_wait3A_153 = tpu.memref_slice %arg3[%dma_wait3A_151, %dma_wait3A_152] : memref<65568x128xf32, #tpu.memory_space<hbm>> -> memref<32x128xf32, #tpu.memory_space<hbm>>
        %dma_wait3A_154 = arith.constant 0 : i32
        %dma_wait3A_155 = arith.constant 0 : i32
        %dma_wait3A_156 = tpu.memref_slice %arg6[%dma_wait3A_154, %dma_wait3A_155] : memref<64x128xf32, #tpu.memory_space<vmem>> -> memref<32x128xf32, #tpu.memory_space<vmem>>
        tpu.wait_dma2 semaphore(%run_scoped3A : memref<!tpu.dma_semaphore, #tpu.memory_space<semaphore_mem>>) src(%dma_wait3A_156 : memref<32x128xf32, #tpu.memory_space<vmem>>) dst(%dma_wait3A_153 : memref<32x128xf32, #tpu.memory_space<hbm>>)
        tpu.yield
      }) : () -> ()
    } else {
    }
    return
  }
}

</mosaic_0001>

<sc_bundles>
// kernel: kernel.3.cloned.1.call-start
scs
__scs_entry_jumppad:
0x0: {  	(pc) =	sbr.rel $0x88, $3  }
0x1: {  	(tag) =	ssettag $0x0;
	lr =	simm.s32 $0x1  }
0x2: {  	[smem:$0x3FA0] =	sst lr;
	_ =	strace $0xD0000000  }
0x3: {  	_ = 	snop  }
0x4: {  	_ = 	snop  }
0x5: {  	_ = 	snop  }
0x6: {  	_ = 	snop  }
0x7: {  	_ = 	snop  }
__scs_overlays_trampoline_lowered:
0x8: {  	[smem:$0x3FAF] =	sst s0  }
0x9: {  	[smem:$0x3FB0] =	sst s1  }
0xa: {  	[smem:$0x3FB1] =	sst s2  }
0xb: {  	[smem:$0x3FB2] =	sst s3  }
0xc: {  	[smem:$0x3FB3] =	sst s4  }
0xd: {  	[smem:$0x3FB4] =	sst s5  }
0xe: {  	[smem:$0x3FB5] =	sst s6  }
0xf: {  	[smem:$0x3FB6] =	sst s7  }
0x10: {  	[smem:$0x3FB7] =	sst s8  }
0x11: {  	[smem:$0x3FB8] =	sst s9;
	s0 =	simm.s32 @!p0 $0x0  }
0x12: {  	s1 =	sld [smem:$0x3F9E];
	s0 =	simm.s32 @p0 $0x1  }
0x13: {  	[smem:$0x3FB9] =	sst s0;
	s0 =	simm.s32 @!p1 $0x0  }
0x14: {  	s2 =	sld [smem:$0x3F9D];
	s0 =	simm.s32 @p1 $0x1  }
0x15: {  	[smem:$0x3FBA] =	sst s0;
	s0 =	simm.s32 @!p2 $0x0  }
0x16: {  	s3 =	sld [smem:$0x3FDB];
	s0 =	simm.s32 @p2 $0x1  }
0x17: {  	s4 =	simm.s32 $0x1BF5;
	[smem:$0x3FBC] =	sst s0  }
0x18: {  	s0 =	sld [smem:$0x3F9F];
	_ =	swait.ge [sflag:s4], $0x0  }
0x19: {  	s7 =	sld [smem:$0x3FA0]  }
0x1a: {  	s8 =	sadd.s32 $0xFFFFE003, lr  }
0x1b: {  	s9 =	sadd.s32 $0xFFFFFEF7, lr;
	s5 =	simm.s32 $0xFFFFFFFF;
	p2 =	slt.u32 s8, $0xFFFFF086  }
0x1c: {  	p1 =	slt.u32 s9, $0xF7A;
	s5 =	simm.s32 @!p2 $0x0  }
0x1d: {  	s5 =	simm.s32 @p1 $0x1;
	p0 =	seq.s32 s7, s2  }
0x1e: {  	s7 =	smul.u32 @!p0 $0xF7A, s2;
	p2 =	seq.s32 @!p0 s5, $0x0  }
0x1f: {  	s9 =	smul.u32 $0xF7A, s1;
	s8 =	simm.s32 @!p0 $0x1BF5;
	p2 =	por !p2, p0  }
0x20: {  	[sflag:s8] =	ssyncset.s32 @!p0 $0xFFFFF086;
	s6 =	sadd.s32 @!p0 s3, s7;
	s7 =	simm.s32 @!p0 $0x108  }
0x21: {  	s3 =	sadd.s32 s3, s9;
	s6 =	sadd.s32 @!p0 $0x88, s6;
	s7 =	simm.s32 @p2 $0x1082  }
0x22: {  	[simem:s7], [sflag:s8] =	dma.local @!p0 [hbm:s6], $0xF7A  }
0x23: {  	s9 =	sor.u32 $0xD0000000, s2;
	s6 =	simm.s32 $0x108;
	_ =	swait.ge @!p0 [sflag:s8], $0x0  }
0x24: {  	s3 =	sadd.s32 $0x88, s3;
	s6 =	simm.s32 @!p1 $0x1082;
	[sflag:s4] =	ssyncset.s32 $0xFFFFF086  }
0x25: {  	[simem:s6], [sflag:s4] =	dma.local [hbm:s3], $0xF7A  }
0x26: {  	[smem:$0x3FA0] =	sst s1;
	(tag) =	ssettag s2;
	_ =	strace s9  }
0x27: {  	s1 =	sld [smem:$0x3FB0]  }
0x28: {  	s2 =	sld [smem:$0x3FB1]  }
0x29: {  	s4 =	sld [smem:$0x3FB3]  }
0x2a: {  	p0 =	seq.s32 s5, $0x0;
	s5 =	sld [smem:$0x3FB4]  }
0x2b: {  	s6 =	sld [smem:$0x3FB5]  }
0x2c: {  	s7 =	sld [smem:$0x3FB6]  }
0x2d: {  	s3 =	simm.s32 $0x108;
	s8 =	sld [smem:$0x3FB7]  }
0x2e: {  	s3 =	simm.s32 @!p0 $0x1082;
	s9 =	sld [smem:$0x3FB8]  }
0x2f: {  	lr =	sadd.s32 s0, s3;
	s0 =	sld [smem:$0x3FAF]  }
0x30: {  	s3 =	sld [smem:$0x3FB2]  }
0x31: {  	[smem:$0x3FBB] =	sst s10  }
0x32: {  	s10 =	sld [smem:$0x3FB9];
	_ =	sdelay $0x3  }
0x33: {  	p0 =	seq.s32 s10, $0x1;
	s10 =	sld [smem:$0x3FBB];
	_ =	sdelay $0x3  }
0x34: {  	[smem:$0x3FBB] =	sst s10  }
0x35: {  	s10 =	sld [smem:$0x3FBA];
	_ =	sdelay $0x3  }
0x36: {  	p1 =	seq.s32 s10, $0x1;
	s10 =	sld [smem:$0x3FBB];
	_ =	sdelay $0x3  }
0x37: {  	[smem:$0x3FBB] =	sst s10  }
0x38: {  	s10 =	sld [smem:$0x3FBC]  }
0x39: {  	_ = 	snop;
	(pc) =	sbr.ind lr, $3  }
0x3a: {  	_ = 	snop  }
0x3b: {  	_ = 	snop  }
0x3c: {  	p2 =	seq.s32 s10, $0x1;
	s10 =	sld [smem:$0x3FBB]  }
0x3d: {  	_ =	shalt  }
0x3e: {  	_ =	shalt  }
0x3f: {  	_ =	shalt  }
0x40: {  	_ =	shalt  }
0x41: {  	_ =	shalt  }
0x42: {  	_ =	shalt  }
0x43: {  	_ =	shalt  }
0x44: {  	_ =	shalt  }
0x45: {  	_ =	shalt  }
0x46: {  	_ =	shalt  }
0x47: {  	_ =	shalt  }
0x48: {  	_ =	shalt  }
0x49: {  	_ =	shalt  }
0x4a: {  	_ =	shalt  }
0x4b: {  	_ =	shalt  }
0x4c: {  	_ =	shalt  }
0x4d: {  	_ =	shalt  }
0x4e: {  	_ =	shalt  }
0x4f: {  	_ =	shalt  }
0x50: {  	_ =	shalt  }
0x51: {  	_ =	shalt  }
0x52: {  	_ =	shalt  }
0x53: {  	_ =	shalt  }
0x54: {  	_ =	shalt  }
0x55: {  	_ =	shalt  }
0x56: {  	_ =	shalt  }
0x57: {  	_ =	shalt  }
0x58: {  	_ =	shalt  }
0x59: {  	_ =	shalt  }
0x5a: {  	_ =	shalt  }
0x5b: {  	_ =	shalt  }
0x5c: {  	_ =	shalt  }
0x5d: {  	_ =	shalt  }
0x5e: {  	_ =	shalt  }
0x5f: {  	_ =	shalt  }
0x60: {  	_ =	shalt  }
0x61: {  	_ =	shalt  }
0x62: {  	_ =	shalt  }
0x63: {  	_ =	shalt  }
0x64: {  	_ =	shalt  }
0x65: {  	_ =	shalt  }
0x66: {  	_ =	shalt  }
0x67: {  	_ =	shalt  }
0x68: {  	_ =	shalt  }
0x69: {  	_ =	shalt  }
0x6a: {  	_ =	shalt  }
0x6b: {  	_ =	shalt  }
0x6c: {  	_ =	shalt  }
0x6d: {  	_ =	shalt  }
0x6e: {  	_ =	shalt  }
0x6f: {  	_ =	shalt  }
0x70: {  	_ =	shalt  }
0x71: {  	_ =	shalt  }
0x72: {  	_ =	shalt  }
0x73: {  	_ =	shalt  }
0x74: {  	_ =	shalt  }
0x75: {  	_ =	shalt  }
0x76: {  	_ =	shalt  }
0x77: {  	_ =	shalt  }
0x78: {  	_ =	shalt  }
0x79: {  	_ =	shalt  }
0x7a: {  	_ =	shalt  }
0x7b: {  	_ =	shalt  }
0x7c: {  	_ =	shalt  }
0x7d: {  	_ =	shalt  }
0x7e: {  	_ =	shalt  }
0x7f: {  	_ =	shalt  }
0x80: {  	_ =	shalt  }
0x81: {  	_ =	shalt  }
0x82: {  	_ =	shalt  }
0x83: {  	_ =	shalt  }
0x84: {  	_ =	shalt  }
0x85: {  	_ =	shalt  }
0x86: {  	_ =	shalt  }
0x87: {  	_ =	shalt  }
.Lfunc_end0:
.L_simem_size_0:
called_computation_lowered:
.L_overlay_start_0:
0x88: {  	s2 =	sld [smem:$0x3FD9]  }
0x89: {  	s3 =	sld [smem:$0x3FFE];
	_ =	sdelay $0x1  }
0x8a: {  	s1 =	srdreg.scid  }
0x8b: {  	s0 =	sand.u32 $0x1, s1  }
0x8c: {  	s17 =	sshll.u32 s0, $0xA;
	s2 =	sadd.s32 s3, s2  }
0x8d: {  	s2 =	sadd.s32 s2, s17  }
0x8e: {  	[smem:$0x3FC7] =	sst s2  }
0x8f: {  	_ = 	snop  }
0x90: {  	s2 =	sld [smem:$0x3FD0];
	(tm) =	ssettm $0x1  }
0x91: {  	s18 =	sld [smem:$0x3FFB];
	_ =	sdelay $0x3  }
0x92: {  	_ =	strace s18  }
0x93: {  	s3 =	sld [smem:$0x3FFC];
	_ =	sdelay $0x3  }
0x94: {  	_ =	strace s3  }
0x95: {  	s3 =	sld [smem:$0x3FFD];
	_ =	sdelay $0x3  }
0x96: {  	_ =	strace s3  }
0x97: {  	_ =	strace $0x8FFFFFFF  }
0x98: {  	s19 =	sld [smem:$0x3FDB];
	_ =	sdelay $0x1  }
0x99: {  	s4 =	simm.s32 $_scs_section_size  }
0x9a: {  	s5 =	simm.s32 $_size__tile_overlayer_lowered;
	s6 =	simm.s32 $_tile_overlayer_lowered  }
0x9b: {  	s22 =	simm.s32 $0x1BFF;
	s21 =	sshll.u32 s6, $0x1;
	s3 =	sadd.s32 s4, s19  }
0x9c: {  	s7 =	simm.s32 $0x0;
	s20 =	sshll.u32 s5, $0x1;
	s5 =	sadd.s32 s21, s3  }
0x9d: {  	[timem:s7], [sflag:s22] =	dma.local [hbm:s5], s20  }
0x9e: {  	_ =	swait.ge [sflag:s22], s20  }
0x9f: {  	s4 =	ssub.s32 $0x0, s20;
	[sflag:s22] =	ssyncset.done $0x0  }
0xa0: {  	[sflag:s22] =	ssyncadd.s32 s4;
	_ =	sdelay $0x1  }
0xa1: {  	s23 =	simm.s32 $0x1B8B  }
0xa2: {  	_ =	swait.ge [sflag:s23], $0x1  }
0xa3: {  	[sflag:s23] =	ssyncset.done $0x0  }
0xa4: {  	s25 =	simm.s32 $0x1B8E;
	s24 =	sld [smem:$0x3FFE];
	[sflag:s23] =	ssyncadd.s32 $0xFFFFFFFF  }
0xa5: {  	s26 =	simm.s32 $execute0_lowered;
	[smem:$0x3FD2] =	sst s25  }
0xa6: {  	s5 =	sshll.u32 s26, $0x1;
	_ =	strace $0x80000046;
	[dreg:$0x1] =	wrdreg $0xFFFFFFFF  }
0xa7: {  	s28 =	simm.s32 $_size_execute0_lowered;
	s3 =	sadd.s32 s3, s5;
	[dreg:$0x0] =	wrdreg $0x0  }
0xa8: {  	s5 =	sshll.u32 s28, $0x1;
	[dreg:$0x2] =	wrdreg s3  }
0xa9: {  	[dreg:$0x3] =	wrdreg s5  }
0xaa: {  	[dreg:$0x4] =	wrdreg $0xC0  }
0xab: {  	_ =	task [dreg:s7], $0x5FFFF  }
0xac: {  	[dreg:$0x1] =	wrdreg $0xFFFFFFFF  }
0xad: {  	[dreg:$0x0] =	wrdreg $0x60  }
0xae: {  	[dreg:$0x2] =	wrdreg s24  }
0xaf: {  	[dreg:$0x3] =	wrdreg s2  }
0xb0: {  	[dreg:$0x4] =	wrdreg $0x9  }
0xb1: {  	_ =	task.clear_ibuf [dreg:s7], $0x5FFFF;
	_ =	strace $0x90000046  }
0xb2: {  	s29 =	simm.s32 $0x9;
	_ =	strace $0x80000048  }
0xb3: {  	_ =	swait.ge [sflag:s29], $0x1  }
0xb4: {  	[sflag:s29] =	ssyncadd.s32 $0xFFFFFFFF  }
0xb5: {  	_ =	strace $0x90000048  }
0xb6: {  	_ =	sfence  }
0xb7: {  	s30 =	sld [smem:$0x0];
	_ =	sdelay $0x2  }
0xb8: {  	s31 =	sshll.u32 s1, $0xD;
	s1 =	sshrl.u32 s1, $0x2  }
0xb9: {  	s3 =	sand.u32 $0x4000, s31;
	s1 =	sadd.s32 s1, s30  }
0xba: {  	s0 =	sor.u32 s3, s0;
	s1 =	sshll.u32 s1, $0x11  }
0xbb: {  	s0 =	sor.u32 s1, s0  }
0xbc: {  	s0 =	sadd.s32 $0x8F2B, s0  }
0xbd: {  	[sflag:s0] =	ssyncadd.remote.s32 $0x1  }
0xbe: {  	_ =	sfence.sel $0xFFFF  }
0xbf: {  	[dreg:$0x0] =	wrdreg $0xFFFFFFFF;
	(pc) =	sbr.abs _section_cstart, $3  }
0xc0: {  	[dreg:$0x1] =	wrdreg $0xFFFFFFFF  }
0xc1: {  	_ =	task.clear_ibuf [dreg:s7], $0x2FFFF;
	_ =	strace $0x9FFFFFFF  }
0xc2: {  	(tm) =	ssettm $0x7FFFFFFF  }
0xc3: {  	_ =	shalt  }
tec
execute0_lowered:
.L_overlay_start_1:
0x0: {  	(tag) =	ssettag $0x1  }
0x1: {  	v0 =	vimm.s32 $0x3180;
	vm0 =	vcmask $0x300;
	s3 =	srdreg.scid;
	s1 =	stileid.u32  }
0x2: {  	v0 =	vsel vm0, $0x0, v0;
	vm0 =	vcmask $0x704;
	s9 =	sand.u32 $0x1, s3;
	s29 =	sshll.u32 s1, $0x1  }
0x3: {  	v0 =	vsel vm0, $0x80, v0;
	vm0 =	vcmask $0xB08;
	s6 =	sor.u32 s9, s29  }
0x4: {  	v2 =	vimm.f32 $1.000000000e+00;
	v0 =	vsel vm0, $0x100, v0;
	vm0 =	vcmask $0xF0C;
	p0 =	sne.s32 s6, $0x0  }
0x5: {  	v0 =	vsel vm0, $0x180, v0;
	vm0 =	vcmask $0x1310;
	vm1 =	vcmask @!p0 $0x704  }
0x6: {  	vm2 =	vcmask @!p0 $0xB08;
	vm3 =	vcmask @!p0 $0xF0C;
	vm4 =	vcmask @!p0 $0x1310  }
0x7: {  	s5 =	rddreg [dreg:$0x0];
	vm5 =	vcmask @!p0 $0x1714;
	v0 =	vsel vm0, $0x1000, v0;
	vm0 =	vcmask $0x1714  }
0x8: {  	s8 =	rddreg [dreg:$0x1];
	vm6 =	vcmask @!p0 $0x1B18;
	v0 =	vsel vm0, $0x1080, v0;
	vm0 =	vcmask $0x1B18  }
0x9: {  	s0 =	rddreg [dreg:$0x2];
	s2 =	simm.s32 $0x0;
	s12 =	simm.s32 $0x200;
	vm7 =	vcmask @!p0 $0x1F1C;
	v0 =	vsel vm0, $0x1100, v0;
	vm0 =	vcmask $0x1F1C  }
0xa: {  	s13 =	simm.s32 $0x2200;
	s14 =	simm.s32 $0x1;
	s15 =	simm.s32 $0x2;
	vm8 =	vcmask @!p0 $0x2320;
	v0 =	vsel vm0, $0x1180, v0;
	vm0 =	vcmask $0x2320  }
0xb: {  	s16 =	simm.s32 $0x0;
	[smem:$0x7FF] =	sst s2;
	s11 =	sshll.u32 s1, $0x10;
	vm9 =	vcmask @!p0 $0x2724;
	v0 =	vsel vm0, $0x2000, v0;
	vm0 =	vcmask $0x2724  }
0xc: {  	s30 =	ssub.s32 $0x2, s9;
	_ =	strace $0x80000047;
	s11 =	sadd.s32 s11, s8;
	vm10 =	vcmask @!p0 $0x2B28;
	v0 =	vsel vm0, $0x2080, v0;
	vm0 =	vcmask $0x2B28  }
0xd: {  	s9 =	sshll.u32 s9, $0xF;
	s4 =	sshll.u32 s6, $0x5;
	s7 =	sshrl.u32 s30, $0x1;
	vm11 =	vcmask @!p0 $0x2F2C;
	v0 =	vsel vm0, $0x2100, v0;
	vm0 =	vcmask $0x2F2C  }
0xe: {  	s31 =	sshll.u32 s6, $0xF;
	s9 =	sadd.s32 s9, s11;
	s11 =	simm.s32 $0x180;
	vm12 =	vcmask @!p0 $0x3330;
	v0 =	vsel vm0, $0x2180, v0;
	vm0 =	vcmask $0x3330  }
0xf: {  	s4 =	sadd.s32 s4, s5;
	s10 =	ssub.s32 s30, s7;
	s5 =	sadd.s32 $0x800, s5;
	vm13 =	vcmask @!p0 $0x3734;
	v0 =	vsel vm0, $0x3000, v0;
	vm0 =	vcmask $0x3734  }
0x10: {  	s7 =	sadd.s32 $0x100000, s8;
	vm14 =	vcmask @!p0 $0x3B38;
	s3 =	sadd.s32 $0x400, s4;
	s4 =	sadd.s32 s8, s31;
	v1 =	vsel vm0, $0x3080, v0;
	vm0 =	vcmask $0x3B38  }
0x11: {  	s8 =	smax.u32 s10, $0x1;
	s10 =	simm.s32 $0x3;
	s6 =	sadd.s32 $0x400, s4;
	v0 =	vimm.f32 $0.0e+00;
	v1 =	vsel vm0, $0x3100, v1;
	vm0 =	vcmask @!p0 $0x300  }
.LBB2_1:
0x12: {  	[tilespmem:s2], [sflag:$0x3] =	stream.linear.gather [hbm4b:s3+s2], $0x100, $0x38;
	[tilespmem:$0x4200] =	vst v63  }
0x13: {  	_ =	swait.ge [sflag:s10], $0x100  }
0x14: {  	[sflag:s10] =	ssyncset.done $0x0  }
0x15: {  	[sflag:s10] =	ssyncadd.s32 $0xFFFFFF00  }
0x16: {  	[tilespmem:s11], [sflag:$0x3] =	stream.linear.gather [hbm4b:s5+s2], $0x10, $0x38;
	[tilespmem:$0x4200] =	vst v63  }
0x17: {  	_ =	swait.ge [sflag:s10], $0x10  }
0x18: {  	[sflag:s10] =	ssyncset.done $0x0  }
0x19: {  	s17 =	simm.s32 $0x0;
	s18 =	simm.s32 $0x200;
	[sflag:s10] =	ssyncadd.s32 $0xFFFFFFF0  }
.LBB2_2:
0x1a: {  	p1 =	sne.s32 s18, $0x7E00;
	[tilespmem:s17+$0x270] =	vst v0  }
0x1b: {  	[tilespmem:s17+$0x200] =	vst v0  }
0x1c: {  	[tilespmem:s17+$0x210] =	vst v0  }
.Ltmp0:
0x1d: {  	[tilespmem:s17+$0x220] =	vst v0;
	(pc) =	sbr.rel @p1 .LBB2_2-.Ltmp0, $4  }
0x1e: {  	[tilespmem:s17+$0x230] =	vst v0  }
0x1f: {  	[tilespmem:s17+$0x240] =	vst v0  }
0x20: {  	[tilespmem:s17+$0x250] =	vst v0  }
0x21: {  	[tilespmem:s17+$0x260] =	vst v0;
	s17 =	sshra.s32 s18, $0x2;
	s18 =	sadd.s32 $0x200, s18  }
0x22: {  	[tilespmem:s17+$0x270] =	vst v0  }
0x23: {  	[tilespmem:s17+$0x200] =	vst v0  }
0x24: {  	[tilespmem:s17+$0x210] =	vst v0  }
0x25: {  	[tilespmem:s17+$0x220] =	vst v0  }
0x26: {  	[tilespmem:s17+$0x230] =	vst v0  }
0x27: {  	[tilespmem:s17+$0x240] =	vst v0  }
0x28: {  	[tilespmem:s17+$0x250] =	vst v0  }
0x29: {  	[tilespmem:s17+$0x260] =	vst v0  }
0x2a: {  	v3 =	vld [tilespmem:$0x0];
	_ =	sdelay $0x4  }
0x2b: {  	v4 =	vshrl.u32 v3, $0x5  }
0x2c: {  	v4 =	vand.u32 $0x1FFFFFC, v4  }
0x2d: {  	v4 =	vshll.u32 v4, $0x7  }
0x2e: {  	v3 =	vand.u32 $0x7F, v3;
	v4 =	vadd.s32 v1, v4  }
0x2f: {  	v3 =	vor.u32 v3, v4;
	_ =	sdelay $0x4  }
0x30: {  	s31 =	simm.s32 $0x0;
	s17 =	simm.s32 $0x0;
	s18 =	simm.s32 $0x200;
	[tilespmem:v3+s12+$0x0] =	vst.idx.msk $0xff, v2  }
0x31: {  	[hbm4b:s4+s31] =	stream.linear.scatter [tilespmem:s12], [sflag:$0x1], $0x2000, $0x38;
	[tilespmem:$0x4200] =	vst v63  }
.LBB2_4:
0x32: {  	p1 =	sne.s32 s18, $0x7E00;
	[tilespmem:s17+$0x2270] =	vst v0  }
0x33: {  	[tilespmem:s17+$0x2200] =	vst v0  }
0x34: {  	[tilespmem:s17+$0x2210] =	vst v0  }
.Ltmp1:
0x35: {  	[tilespmem:s17+$0x2220] =	vst v0;
	(pc) =	sbr.rel @p1 .LBB2_4-.Ltmp1, $4  }
0x36: {  	[tilespmem:s17+$0x2230] =	vst v0  }
0x37: {  	[tilespmem:s17+$0x2240] =	vst v0  }
0x38: {  	[tilespmem:s17+$0x2250] =	vst v0  }
0x39: {  	[tilespmem:s17+$0x2260] =	vst v0;
	s17 =	sshra.s32 s18, $0x2;
	s18 =	sadd.s32 $0x200, s18  }
0x3a: {  	[tilespmem:s17+$0x2270] =	vst v0  }
0x3b: {  	[tilespmem:s17+$0x2200] =	vst v0  }
0x3c: {  	[tilespmem:s17+$0x2210] =	vst v0  }
0x3d: {  	[tilespmem:s17+$0x2220] =	vst v0  }
0x3e: {  	[tilespmem:s17+$0x2230] =	vst v0  }
0x3f: {  	[tilespmem:s17+$0x2240] =	vst v0  }
0x40: {  	[tilespmem:s17+$0x2250] =	vst v0  }
0x41: {  	[tilespmem:s17+$0x2260] =	vst v0  }
0x42: {  	v3 =	vld [tilespmem:$0x8];
	_ =	sdelay $0x4  }
0x43: {  	v4 =	vshrl.u32 v3, $0x5  }
0x44: {  	v4 =	vand.u32 $0x1FFFFFC, v4  }
0x45: {  	v4 =	vshll.u32 v4, $0x7  }
0x46: {  	v3 =	vand.u32 $0x7F, v3;
	v4 =	vadd.s32 v1, v4  }
0x47: {  	v3 =	vor.u32 v3, v4;
	_ =	sdelay $0x4  }
0x48: {  	s17 =	simm.s32 $0xFFFF8800;
	s18 =	simm.s32 $0x10;
	[tilespmem:v3+s13+$0x0] =	vst.idx.msk $0xff, v2  }
0x49: {  	[hbm4b:s6+s2] =	stream.linear.scatter [tilespmem:s13], [sflag:$0x2], $0x2000, $0x38;
	[tilespmem:$0x4200] =	vst v63  }
.LBB2_6:
0x4a: {  	_ =	swait.ge [sflag:s14], $0x2000  }
0x4b: {  	[sflag:s14] =	ssyncset.done $0x0  }
0x4c: {  	[sflag:s14] =	ssyncadd.s32 $0xFFFFE000  }
0x4d: {  	v3 =	vld [tilespmem:s18+$0xFFFFFFF0];
	_ =	sdelay $0x4  }
0x4e: {  	v4 =	vshrl.u32 v3, $0x5  }
0x4f: {  	v4 =	vand.u32 $0x1FFFFFC, v4  }
0x50: {  	v4 =	vshll.u32 v4, $0x7  }
0x51: {  	v3 =	vand.u32 $0x7F, v3;
	v4 =	vadd.s32 v1, v4  }
0x52: {  	v3 =	vor.u32 v3, v4;
	_ =	sdelay $0x4  }
0x53: {  	[tilespmem:v3+s12+$0x0] =	vst.idx.msk $0xff, v0  }
0x54: {  	v3 =	vld [tilespmem:s18+$0x0];
	_ =	sdelay $0x4  }
0x55: {  	v61 =	vshrl.u32 v3, $0x5  }
0x56: {  	v4 =	vand.u32 $0x1FFFFFC, v61  }
0x57: {  	v4 =	vshll.u32 v4, $0x7  }
0x58: {  	v3 =	vand.u32 $0x7F, v3;
	v4 =	vadd.s32 v1, v4  }
0x59: {  	v3 =	vor.u32 v3, v4;
	_ =	sdelay $0x3  }
0x5a: {  	s19 =	sadd.s32 s17, s9  }
0x5b: {  	s20 =	sadd.s32 $0x8000, s19;
	[tilespmem:v3+s12+$0x0] =	vst.idx.msk $0xff, v2  }
0x5c: {  	[hbm4b:s20+s2] =	stream.linear.scatter [tilespmem:s12], [sflag:$0x1], $0x2000, $0x38;
	[tilespmem:$0x4200] =	vst v63  }
0x5d: {  	_ =	swait.ge [sflag:s15], $0x2000  }
0x5e: {  	[sflag:s15] =	ssyncset.done $0x0  }
0x5f: {  	[sflag:s15] =	ssyncadd.s32 $0xFFFFE000  }
0x60: {  	v3 =	vld [tilespmem:s18+$0xFFFFFFF8];
	_ =	sdelay $0x4  }
0x61: {  	v62 =	vshrl.u32 v3, $0x5  }
0x62: {  	v4 =	vand.u32 $0x1FFFFFC, v62  }
0x63: {  	v4 =	vshll.u32 v4, $0x7  }
0x64: {  	v3 =	vand.u32 $0x7F, v3;
	v4 =	vadd.s32 v1, v4  }
0x65: {  	v3 =	vor.u32 v3, v4;
	_ =	sdelay $0x4  }
0x66: {  	[tilespmem:v3+s13+$0x0] =	vst.idx.msk $0xff, v0  }
0x67: {  	v3 =	vld [tilespmem:s18+$0x8];
	_ =	sdelay $0x4  }
0x68: {  	v63 =	vshrl.u32 v3, $0x5  }
0x69: {  	v4 =	vand.u32 $0x1FFFFFC, v63  }
0x6a: {  	v4 =	vshll.u32 v4, $0x7  }
0x6b: {  	v3 =	vand.u32 $0x7F, v3;
	v4 =	vadd.s32 v1, v4  }
0x6c: {  	v3 =	vor.u32 v3, v4  }
0x6d: {  	p1 =	sne.s32 s17, $0xFFFFF800  }
.Ltmp2:
0x6e: {  	_ = 	snop;
	(pc) =	sbr.rel @p1 .LBB2_6-.Ltmp2, $3  }
0x6f: {  	_ =	sdelay $0x1  }
0x70: {  	s17 =	sadd.s32 $0x800, s17;
	s19 =	sadd.s32 $0x8400, s19;
	s18 =	sadd.s32 $0x10, s18;
	[tilespmem:v3+s13+$0x0] =	vst.idx.msk $0xff, v2  }
0x71: {  	[hbm4b:s19+s2] =	stream.linear.scatter [tilespmem:s13], [sflag:$0x2], $0x2000, $0x38;
	[tilespmem:$0x4200] =	vst v63  }
0x72: {  	v3 =	vimm.s32 @!p0 $0x3180  }
0x73: {  	v3 =	vsel @!p0 vm0, $0x0, v3  }
0x74: {  	_ =	swait.ge [sflag:s14], $0x2000;
	v3 =	vsel @!p0 vm1, $0x80, v3  }
0x75: {  	[sflag:s14] =	ssyncset.done $0x0;
	v3 =	vsel @!p0 vm2, $0x100, v3  }
0x76: {  	[sflag:s14] =	ssyncadd.s32 $0xFFFFE000;
	v3 =	vsel @!p0 vm3, $0x180, v3  }
0x77: {  	_ =	swait.ge [sflag:s15], $0x2000;
	v3 =	vsel @!p0 vm4, $0x1000, v3  }
0x78: {  	[sflag:s15] =	ssyncset.done $0x0;
	v3 =	vsel @!p0 vm5, $0x1080, v3  }
0x79: {  	[sflag:s15] =	ssyncadd.s32 $0xFFFFE000;
	v3 =	vsel @!p0 vm6, $0x1100, v3  }
0x7a: {  	v4 =	vld @!p0 [tilespmem:$0xF0];
	v3 =	vsel @!p0 vm7, $0x1180, v3  }
0x7b: {  	v3 =	vsel @!p0 vm8, $0x2000, v3  }
0x7c: {  	v3 =	vsel @!p0 vm9, $0x2080, v3  }
0x7d: {  	v3 =	vsel @!p0 vm10, $0x2100, v3  }
0x7e: {  	v3 =	vsel @!p0 vm11, $0x2180, v3  }
0x7f: {  	v5 =	vshrl.u32 @!p0 v4, $0x5;
	v3 =	vsel @!p0 vm12, $0x3000, v3  }
0x80: {  	v5 =	vand.u32 @!p0 $0x1FFFFFC, v5;
	v3 =	vsel @!p0 vm13, $0x3080, v3  }
0x81: {  	v5 =	vshll.u32 @!p0 v5, $0x7;
	v3 =	vsel @!p0 vm14, $0x3100, v3  }
0x82: {  	v4 =	vand.u32 @!p0 $0x7F, v4;
	v3 =	vadd.s32 @!p0 v3, v5  }
0x83: {  	v3 =	vor.u32 @!p0 v4, v3;
	_ =	sdelay $0x3  }
0x84: {  	s17 =	simm.s32 @!p0 $0x200;
	v4 =	vimm.f32 @!p0 $0.0e+00  }
0x85: {  	[tilespmem:v3+s17+$0x0] =	vst.idx.msk @!p0 $0xff, v4  }
0x86: {  	v3 =	vld @!p0 [tilespmem:$0x180];
	_ =	sdelay $0x3  }
0x87: {  	v4 =	vlaneseq.u32 @!p0  }
0x88: {  	v4 =	vand.u32 @!p0 $0x3, v4;
	v5 =	vshrl.u32 @!p0 v3, $0x5  }
0x89: {  	v4 =	vmul.u32 @!p0 $0x80, v4;
	v5 =	vand.u32 @!p0 $0x1FFFFFC, v5  }
0x8a: {  	v5 =	vshll.u32 @!p0 v5, $0x7  }
0x8b: {  	v3 =	vand.u32 @!p0 $0x7F, v3;
	v4 =	vor.u32 @!p0 v4, v5  }
0x8c: {  	v3 =	vor.u32 @!p0 v3, v4;
	_ =	sdelay $0x3  }
0x8d: {  	s16 =	sadd.s32 $0x1, s16;
	v4 =	vimm.f32 @!p0 $1.000000000e+00  }
0x8e: {  	s18 =	simm.s32 @!p0 $0x0;
	p1 =	sne.s32 s16, s8;
	[tilespmem:v3+s17+$0x0] =	vst.idx.msk @!p0 $0xf, v4  }
0x8f: {  	[hbm4b:s7+s18] =	stream.linear.scatter @!p0 [tilespmem:s17], [sflag:$0x3], $0x1000, $0x38;
	[tilespmem:$0x4200] =	vst v63  }
.Ltmp3:
0x90: {  	_ = 	snop;
	(pc) =	sbr.rel @p1 .LBB2_1-.Ltmp3, $4  }
0x91: {  	s17 =	simm.s32 @!p0 $0x3  }
0x92: {  	_ =	swait.ge @!p0 [sflag:s17], $0x1000  }
0x93: {  	[sflag:s17] =	ssyncset.done @!p0 $0x0  }
0x94: {  	[sflag:s17] =	ssyncadd.s32 @!p0 $0xFFFFF000  }
0x95: {  	_ =	sfence.sel $0x180000  }
0x96: {  	[bflag:$0x0] =	sbarrier.arrive $0xFFFF  }
0x97: {  	p0 =	sne.s32 s1, $0x0;
	_ =	strace $0x90000047  }
0x98: {  	s0 =	sadd.s32 @!p0 $0x100000, s0;
	[bflag:$0x2] =	sbarrier.arrive $0xFFFF  }
0x99: {  	[sflag:s0] =	ssyncadd.tile.s32 @!p0 $0x1;
	_ =	shalt  }
.Lfunc_end2:
_tile_overlayer_lowered:
.L_overlay_start_2:
0x9a: {  	(tag) =	ssettag $0x2  }
0x9b: {  	s0 =	rddreg [dreg:$0x0];
	s2 =	stileid.u32  }
0x9c: {  	s1 =	rddreg [dreg:$0x1];
	p0 =	sne.s32 s2, $0x0  }
0x9d: {  	s3 =	rddreg [dreg:$0x2];
	[bflag:$0x3] =	sbarrier.arrive $0xFFFF;
	s2 =	simm.s32 @!p0 $0x1C03  }
0x9e: {  	[timem:s3], [sflag:s2] =	dma.local @!p0 [hbm:s0], s1  }
0x9f: {  	s0 =	simm.s32 @!p0 $0x3  }
0xa0: {  	_ =	swait.ge @!p0 [sflag:s0], s1  }
0xa1: {  	s1 =	ssub.s32 @!p0 $0x0, s1;
	[sflag:s0] =	ssyncset.done @!p0 $0x0  }
0xa2: {  	[sflag:s0] =	ssyncadd.s32 @!p0 s1  }
0xa3: {  	[bflag:$0x3] =	sbarrier.arrive $0xFFFF  }
0xa4: {  	_ =	shalt  }

</sc_bundles>
